<compile_context>
chip_gen: v7x
topology: tpu7x:2x2x1
jax: 0.10.2.dev20260603
libtpu: 0.0.44.dev20260713+nightly
codegen_flags: <defaults>
</compile_context>

<pallas_src>
import functools

import jax
import jax.numpy as jnp
from jax import lax
from jax.experimental import pallas as pl
from jax.experimental.pallas import tpu as pltpu
from jax.experimental.pallas import tpu_sc as plsc

_BATCH = 16384
_HALF = _BATCH // 2
_ROWS = 1000
_D_IN = 64
_D_HID = 128
_D_OUT = 64
_BLK = 4096


def _make_sc_gather():
    info = plsc.get_sparse_core_info()
    nw = info.num_cores * info.num_subcores
    bpw = _BATCH // nw
    ch = 128
    nch = bpw // ch
    mesh = plsc.VectorSubcoreMesh(core_axis_name="c", subcore_axis_name="s")

    hpw = bpw // 2

    @functools.partial(
        pl.kernel,
        mesh=mesh,
        compiler_params=pltpu.CompilerParams(
            use_tc_tiling_on_sc=False, needs_layout_passes=False
        ),
        out_type=jax.ShapeDtypeStruct((_BATCH, _D_IN), jnp.float32),
        scratch_types=[
            pltpu.VMEM((hpw,), jnp.int32),
            pltpu.VMEM((hpw,), jnp.int32),
            pltpu.VMEM((bpw,), jnp.int32),
            pltpu.VMEM((bpw, _D_IN), jnp.float32),
            pltpu.SemaphoreType.DMA,
        ],
    )
    def gather(tbl_hbm, idx_hbm, out_hbm, idx_lo, idx_hi, idx_v, rows_v, sem):
        wid = lax.axis_index("s") * info.num_cores + lax.axis_index("c")
        base = wid * bpw
        pltpu.sync_copy(idx_hbm.at[pl.ds(wid * hpw, hpw)], idx_lo)
        pltpu.sync_copy(idx_hbm.at[pl.ds(_HALF + wid * hpw, hpw)], idx_hi)
        lanes2 = lax.iota(jnp.int32, 16) * 2
        for k in range(hpw // 16):
            pos = lanes2 + (32 * k)
            plsc.store_scatter(idx_v, [pos], idx_lo[pl.ds(k * 16, 16)])
            plsc.store_scatter(idx_v, [pos + 1], idx_hi[pl.ds(k * 16, 16)])
        copies = [
            pltpu.async_copy(
                tbl_hbm.at[idx_v.at[pl.ds(j * ch, ch)]],
                rows_v.at[pl.ds(j * ch, ch)],
                sem,
            )
            for j in range(nch)
        ]
        for c in copies:
            c.wait()
        pltpu.sync_copy(rows_v, out_hbm.at[pl.ds(base, bpw)])

    return gather


_sc_gather = _make_sc_gather()


def _mish(h):
    u = jnp.exp(h)
    num = u * (u + 2.0)
    return h * num / (num + 2.0)


def _mlp_body(xp_ref, w1_ref, b1_ref, w2t_ref, b2_ref, out_ref):
    j = pl.program_id(0)
    w1 = w1_ref[...]
    b1 = b1_ref[...]
    w2t = w2t_ref[...]
    b2 = b2_ref[...]
    for half, col0 in ((0, 0), (1, _HALF)):
        x = xp_ref[:, half * _D_IN : (half + 1) * _D_IN]
        h = _mish(jnp.dot(x, w1, preferred_element_type=jnp.float32) + b1)
        o = (
            jax.lax.dot_general(
                w2t, h, (((1,), (1,)), ((), ())),
                preferred_element_type=jnp.float32,
            )
            + b2
        )
        out_ref[:, pl.ds(col0 + j * _BLK, _BLK)] = o


def _pair_mlp_t(xp, W1, b1, W2t, b2):
    n_blk = _HALF // _BLK
    return pl.pallas_call(
        _mlp_body,
        grid=(n_blk,),
        in_specs=[
            pl.BlockSpec((_BLK, 2 * _D_IN), lambda i: (i, 0)),
            pl.BlockSpec((_D_IN, _D_HID), lambda i: (0, 0)),
            pl.BlockSpec((1, _D_HID), lambda i: (0, 0)),
            pl.BlockSpec((_D_OUT, _D_HID), lambda i: (0, 0)),
            pl.BlockSpec((_D_OUT, 1), lambda i: (0, 0)),
        ],
        out_specs=pl.BlockSpec((_D_OUT, _BATCH), lambda i: (0, 0)),
        out_shape=jax.ShapeDtypeStruct((_D_OUT, _BATCH), jnp.float32),
    )(xp, W1, b1.reshape(1, -1), W2t, b2.reshape(-1, 1))


def kernel(diffusion_step, embedding, W1, b1, W2, b2):
    idx = diffusion_step.astype(jnp.int32)
    x = _sc_gather(embedding, idx)
    xp = x.reshape(_HALF, 2 * _D_IN)
    out_t = _pair_mlp_t(xp, W1, b1, W2.T, b2)
    return out_t.T

# --- scband reference (transcript-rebuilt; emitter-appended) ---
"""Pipeline reference for scband-time-embedding-64991445123804 (READ-ONLY COPY).

The authoritative reference and input builder live on the scoring server;
editing this copy changes nothing except your own understanding.
"""

import jax, jax.numpy as jnp
import numpy as np

DIM = 32
PROJ_DIM = 64
MAX_STEPS = 1000
BATCH = 16384


def _build_embedding(dim, max_steps):
    steps = jnp.arange(max_steps, dtype=jnp.float32)[:, None]
    dims = jnp.arange(dim, dtype=jnp.float32)[None, :]
    table = steps * 10.0 ** (dims * 4.0 / dim)
    return jnp.concatenate([jnp.sin(table), jnp.cos(table)], axis=1)


def setup_inputs(seed: int = 0) -> dict:
    key = jax.random.key(seed)
    k0, k1, k2 = jax.random.split(key, 3)
    embedding = _build_embedding(DIM, MAX_STEPS)
    diffusion_step = jax.random.randint(k0, (BATCH,), 0, MAX_STEPS)
    W1 = jax.random.normal(k1, (DIM * 2, PROJ_DIM * 2), jnp.float32) * (1.0 / np.sqrt(DIM * 2))
    b1 = jnp.zeros((PROJ_DIM * 2,), jnp.float32)
    W2 = jax.random.normal(k2, (PROJ_DIM * 2, PROJ_DIM), jnp.float32) * (1.0 / np.sqrt(PROJ_DIM * 2))
    b2 = jnp.zeros((PROJ_DIM,), jnp.float32)
    return {"diffusion_step": diffusion_step, "embedding": embedding, "W1": W1, "b1": b1, "W2": W2, "b2": b2}


def _mish(x):
    return x * jnp.tanh(jax.nn.softplus(x))


def reference(diffusion_step, embedding, W1, b1, W2, b2):
    x = jnp.take(embedding, diffusion_step, axis=0)
    h = _mish(x @ W1 + b1)
    out = h @ W2 + b2
    return out

if __name__ == "__main__":
    import jax
    _d = setup_inputs()
    print(jax.jit(kernel)(*tuple(_d.values())))

</pallas_src>

<mosaic_0001>
#map = affine_map<(d0, d1) -> (0, 0)>
#map1 = affine_map<(d0, d1) -> (0)>
module attributes {stable_mosaic.version = 14 : i64} {
  func.func @gather(%arg0: i32, %arg1: i32, %arg2: memref<1000x64xf32, #tpu.memory_space<hbm>>, %arg3: memref<16384xi32, #tpu.memory_space<hbm>>, %arg4: memref<16384x64xf32, #tpu.memory_space<hbm>>, %arg5: memref<256xi32, #tpu.memory_space<vmem>>, %arg6: memref<256xi32, #tpu.memory_space<vmem>>, %arg7: memref<512xi32, #tpu.memory_space<vmem>>, %arg8: memref<512x64xf32, #tpu.memory_space<vmem>>, %arg9: memref<!tpu.dma_semaphore, #tpu.memory_space<semaphore_mem>>) attributes {dimension_semantics = [#tpu.dimension_semantics<core_parallel>, #tpu.dimension_semantics<subcore_parallel>], iteration_bounds = array<i64: 2, 16>, scalar_prefetch = 0 : i64, scratch_operands = 5 : i64, tpu.core_type = #tpu.core_type<sc_vector_subcore>, window_params = [{transform_indices = #map}, {transform_indices = #map1}, {transform_indices = #map}]} {
    %mul3A = arith.constant 2 : i32
    %mul3A_0 = arith.muli %arg1, %mul3A : i32
    %add3A = arith.addi %mul3A_0, %arg0 : i32
    %mul3A_1 = arith.constant 512 : i32
    %mul3A_2 = arith.muli %add3A, %mul3A_1 : i32
    %mul3A_3 = arith.constant 256 : i32
    %mul3A_4 = arith.muli %add3A, %mul3A_3 : i32
    "tpu.region"() ({
      %run_scoped3A = tpu.sem_alloc : memref<!tpu.dma_semaphore, #tpu.memory_space<semaphore_mem>>
      %dma_start3A_233 = tpu.memref_slice %arg3[%mul3A_4] : memref<16384xi32, #tpu.memory_space<hbm>> -> memref<256xi32, #tpu.memory_space<hbm>>
      %dma_start3A_234 = tpu.memref_slice %arg3[%mul3A_4] : memref<16384xi32, #tpu.memory_space<hbm>> -> memref<256xi32, #tpu.memory_space<hbm>>
      tpu.enqueue_dma source(%dma_start3A_234 : memref<256xi32, #tpu.memory_space<hbm>>) target(%arg5 : memref<256xi32, #tpu.memory_space<vmem>>) target_semaphore(%run_scoped3A : memref<!tpu.dma_semaphore, #tpu.memory_space<semaphore_mem>>)
      %dma_wait3A_235 = tpu.memref_slice %arg3[%mul3A_4] : memref<16384xi32, #tpu.memory_space<hbm>> -> memref<256xi32, #tpu.memory_space<hbm>>
      %dma_wait3A_236 = tpu.memref_slice %arg3[%mul3A_4] : memref<16384xi32, #tpu.memory_space<hbm>> -> memref<256xi32, #tpu.memory_space<hbm>>
      tpu.wait_dma2 semaphore(%run_scoped3A : memref<!tpu.dma_semaphore, #tpu.memory_space<semaphore_mem>>) src(%dma_wait3A_236 : memref<256xi32, #tpu.memory_space<hbm>>) dst(%arg5 : memref<256xi32, #tpu.memory_space<vmem>>)
      tpu.yield
    }) : () -> ()
    %mul3A_5 = arith.constant 256 : i32
    %mul3A_6 = arith.muli %add3A, %mul3A_5 : i32
    %add3A_7 = arith.constant 8192 : i32
    %add3A_8 = arith.addi %add3A_7, %mul3A_6 : i32
    "tpu.region"() ({
      %run_scoped3A = tpu.sem_alloc : memref<!tpu.dma_semaphore, #tpu.memory_space<semaphore_mem>>
      %dma_start3A_233 = tpu.memref_slice %arg3[%add3A_8] : memref<16384xi32, #tpu.memory_space<hbm>> -> memref<256xi32, #tpu.memory_space<hbm>>
      %dma_start3A_234 = tpu.memref_slice %arg3[%add3A_8] : memref<16384xi32, #tpu.memory_space<hbm>> -> memref<256xi32, #tpu.memory_space<hbm>>
      tpu.enqueue_dma source(%dma_start3A_234 : memref<256xi32, #tpu.memory_space<hbm>>) target(%arg6 : memref<256xi32, #tpu.memory_space<vmem>>) target_semaphore(%run_scoped3A : memref<!tpu.dma_semaphore, #tpu.memory_space<semaphore_mem>>)
      %dma_wait3A_235 = tpu.memref_slice %arg3[%add3A_8] : memref<16384xi32, #tpu.memory_space<hbm>> -> memref<256xi32, #tpu.memory_space<hbm>>
      %dma_wait3A_236 = tpu.memref_slice %arg3[%add3A_8] : memref<16384xi32, #tpu.memory_space<hbm>> -> memref<256xi32, #tpu.memory_space<hbm>>
      tpu.wait_dma2 semaphore(%run_scoped3A : memref<!tpu.dma_semaphore, #tpu.memory_space<semaphore_mem>>) src(%dma_wait3A_236 : memref<256xi32, #tpu.memory_space<hbm>>) dst(%arg6 : memref<256xi32, #tpu.memory_space<vmem>>)
      tpu.yield
    }) : () -> ()
    %iota3A = tpu.iota {dimensions = array<i32: 0>} : vector<16xi32>
    %mul3A_9 = arith.constant 2 : i32
    %mul3A_10 = vector.broadcast %mul3A_9 : i32 to vector<16xi32>
    %mul3A_11 = arith.muli %iota3A, %mul3A_10 : vector<16xi32>
    %add3A_12 = arith.constant 0 : i32
    %add3A_13 = vector.broadcast %add3A_12 : i32 to vector<16xi32>
    %add3A_14 = arith.addi %mul3A_11, %add3A_13 : vector<16xi32>
    %get3A = arith.constant 0 : index
    %get3A_15 = tpu.vector_load %arg5[%get3A] {strides = array<i32>} : memref<256xi32, #tpu.memory_space<vmem>>, vector<16xi32>,
    tpu.vector_store_idx %arg7[%add3A_14], %get3A_15 : memref<512xi32, #tpu.memory_space<vmem>>[vector<16xi32>], vector<16xi32>,
    %add3A_16 = arith.constant 1 : i32
    %add3A_17 = vector.broadcast %add3A_16 : i32 to vector<16xi32>
    %add3A_18 = arith.addi %add3A_14, %add3A_17 : vector<16xi32>
    %get3A_19 = arith.constant 0 : index
    %get3A_20 = tpu.vector_load %arg6[%get3A_19] {strides = array<i32>} : memref<256xi32, #tpu.memory_space<vmem>>, vector<16xi32>,
    tpu.vector_store_idx %arg7[%add3A_18], %get3A_20 : memref<512xi32, #tpu.memory_space<vmem>>[vector<16xi32>], vector<16xi32>,
    %add3A_21 = arith.constant 32 : i32
    %add3A_22 = vector.broadcast %add3A_21 : i32 to vector<16xi32>
    %add3A_23 = arith.addi %mul3A_11, %add3A_22 : vector<16xi32>
    %get3A_24 = arith.constant 16 : index
    %get3A_25 = tpu.vector_load %arg5[%get3A_24] {strides = array<i32>} : memref<256xi32, #tpu.memory_space<vmem>>, vector<16xi32>,
    tpu.vector_store_idx %arg7[%add3A_23], %get3A_25 : memref<512xi32, #tpu.memory_space<vmem>>[vector<16xi32>], vector<16xi32>,
    %add3A_26 = arith.constant 1 : i32
    %add3A_27 = vector.broadcast %add3A_26 : i32 to vector<16xi32>
    %add3A_28 = arith.addi %add3A_23, %add3A_27 : vector<16xi32>
    %get3A_29 = arith.constant 16 : index
    %get3A_30 = tpu.vector_load %arg6[%get3A_29] {strides = array<i32>} : memref<256xi32, #tpu.memory_space<vmem>>, vector<16xi32>,
    tpu.vector_store_idx %arg7[%add3A_28], %get3A_30 : memref<512xi32, #tpu.memory_space<vmem>>[vector<16xi32>], vector<16xi32>,
    %add3A_31 = arith.constant 64 : i32
    %add3A_32 = vector.broadcast %add3A_31 : i32 to vector<16xi32>
    %add3A_33 = arith.addi %mul3A_11, %add3A_32 : vector<16xi32>
    %get3A_34 = arith.constant 32 : index
    %get3A_35 = tpu.vector_load %arg5[%get3A_34] {strides = array<i32>} : memref<256xi32, #tpu.memory_space<vmem>>, vector<16xi32>,
    tpu.vector_store_idx %arg7[%add3A_33], %get3A_35 : memref<512xi32, #tpu.memory_space<vmem>>[vector<16xi32>], vector<16xi32>,
    %add3A_36 = arith.constant 1 : i32
    %add3A_37 = vector.broadcast %add3A_36 : i32 to vector<16xi32>
    %add3A_38 = arith.addi %add3A_33, %add3A_37 : vector<16xi32>
    %get3A_39 = arith.constant 32 : index
    %get3A_40 = tpu.vector_load %arg6[%get3A_39] {strides = array<i32>} : memref<256xi32, #tpu.memory_space<vmem>>, vector<16xi32>,
    tpu.vector_store_idx %arg7[%add3A_38], %get3A_40 : memref<512xi32, #tpu.memory_space<vmem>>[vector<16xi32>], vector<16xi32>,
    %add3A_41 = arith.constant 96 : i32
    %add3A_42 = vector.broadcast %add3A_41 : i32 to vector<16xi32>
    %add3A_43 = arith.addi %mul3A_11, %add3A_42 : vector<16xi32>
    %get3A_44 = arith.constant 48 : index
    %get3A_45 = tpu.vector_load %arg5[%get3A_44] {strides = array<i32>} : memref<256xi32, #tpu.memory_space<vmem>>, vector<16xi32>,
    tpu.vector_store_idx %arg7[%add3A_43], %get3A_45 : memref<512xi32, #tpu.memory_space<vmem>>[vector<16xi32>], vector<16xi32>,
    %add3A_46 = arith.constant 1 : i32
    %add3A_47 = vector.broadcast %add3A_46 : i32 to vector<16xi32>
    %add3A_48 = arith.addi %add3A_43, %add3A_47 : vector<16xi32>
    %get3A_49 = arith.constant 48 : index
    %get3A_50 = tpu.vector_load %arg6[%get3A_49] {strides = array<i32>} : memref<256xi32, #tpu.memory_space<vmem>>, vector<16xi32>,
    tpu.vector_store_idx %arg7[%add3A_48], %get3A_50 : memref<512xi32, #tpu.memory_space<vmem>>[vector<16xi32>], vector<16xi32>,
    %add3A_51 = arith.constant 128 : i32
    %add3A_52 = vector.broadcast %add3A_51 : i32 to vector<16xi32>
    %add3A_53 = arith.addi %mul3A_11, %add3A_52 : vector<16xi32>
    %get3A_54 = arith.constant 64 : index
    %get3A_55 = tpu.vector_load %arg5[%get3A_54] {strides = array<i32>} : memref<256xi32, #tpu.memory_space<vmem>>, vector<16xi32>,
    tpu.vector_store_idx %arg7[%add3A_53], %get3A_55 : memref<512xi32, #tpu.memory_space<vmem>>[vector<16xi32>], vector<16xi32>,
    %add3A_56 = arith.constant 1 : i32
    %add3A_57 = vector.broadcast %add3A_56 : i32 to vector<16xi32>
    %add3A_58 = arith.addi %add3A_53, %add3A_57 : vector<16xi32>
    %get3A_59 = arith.constant 64 : index
    %get3A_60 = tpu.vector_load %arg6[%get3A_59] {strides = array<i32>} : memref<256xi32, #tpu.memory_space<vmem>>, vector<16xi32>,
    tpu.vector_store_idx %arg7[%add3A_58], %get3A_60 : memref<512xi32, #tpu.memory_space<vmem>>[vector<16xi32>], vector<16xi32>,
    %add3A_61 = arith.constant 160 : i32
    %add3A_62 = vector.broadcast %add3A_61 : i32 to vector<16xi32>
    %add3A_63 = arith.addi %mul3A_11, %add3A_62 : vector<16xi32>
    %get3A_64 = arith.constant 80 : index
    %get3A_65 = tpu.vector_load %arg5[%get3A_64] {strides = array<i32>} : memref<256xi32, #tpu.memory_space<vmem>>, vector<16xi32>,
    tpu.vector_store_idx %arg7[%add3A_63], %get3A_65 : memref<512xi32, #tpu.memory_space<vmem>>[vector<16xi32>], vector<16xi32>,
    %add3A_66 = arith.constant 1 : i32
    %add3A_67 = vector.broadcast %add3A_66 : i32 to vector<16xi32>
    %add3A_68 = arith.addi %add3A_63, %add3A_67 : vector<16xi32>
    %get3A_69 = arith.constant 80 : index
    %get3A_70 = tpu.vector_load %arg6[%get3A_69] {strides = array<i32>} : memref<256xi32, #tpu.memory_space<vmem>>, vector<16xi32>,
    tpu.vector_store_idx %arg7[%add3A_68], %get3A_70 : memref<512xi32, #tpu.memory_space<vmem>>[vector<16xi32>], vector<16xi32>,
    %add3A_71 = arith.constant 192 : i32
    %add3A_72 = vector.broadcast %add3A_71 : i32 to vector<16xi32>
    %add3A_73 = arith.addi %mul3A_11, %add3A_72 : vector<16xi32>
    %get3A_74 = arith.constant 96 : index
    %get3A_75 = tpu.vector_load %arg5[%get3A_74] {strides = array<i32>} : memref<256xi32, #tpu.memory_space<vmem>>, vector<16xi32>,
    tpu.vector_store_idx %arg7[%add3A_73], %get3A_75 : memref<512xi32, #tpu.memory_space<vmem>>[vector<16xi32>], vector<16xi32>,
    %add3A_76 = arith.constant 1 : i32
    %add3A_77 = vector.broadcast %add3A_76 : i32 to vector<16xi32>
    %add3A_78 = arith.addi %add3A_73, %add3A_77 : vector<16xi32>
    %get3A_79 = arith.constant 96 : index
    %get3A_80 = tpu.vector_load %arg6[%get3A_79] {strides = array<i32>} : memref<256xi32, #tpu.memory_space<vmem>>, vector<16xi32>,
    tpu.vector_store_idx %arg7[%add3A_78], %get3A_80 : memref<512xi32, #tpu.memory_space<vmem>>[vector<16xi32>], vector<16xi32>,
    %add3A_81 = arith.constant 224 : i32
    %add3A_82 = vector.broadcast %add3A_81 : i32 to vector<16xi32>
    %add3A_83 = arith.addi %mul3A_11, %add3A_82 : vector<16xi32>
    %get3A_84 = arith.constant 112 : index
    %get3A_85 = tpu.vector_load %arg5[%get3A_84] {strides = array<i32>} : memref<256xi32, #tpu.memory_space<vmem>>, vector<16xi32>,
    tpu.vector_store_idx %arg7[%add3A_83], %get3A_85 : memref<512xi32, #tpu.memory_space<vmem>>[vector<16xi32>], vector<16xi32>,
    %add3A_86 = arith.constant 1 : i32
    %add3A_87 = vector.broadcast %add3A_86 : i32 to vector<16xi32>
    %add3A_88 = arith.addi %add3A_83, %add3A_87 : vector<16xi32>
    %get3A_89 = arith.constant 112 : index
    %get3A_90 = tpu.vector_load %arg6[%get3A_89] {strides = array<i32>} : memref<256xi32, #tpu.memory_space<vmem>>, vector<16xi32>,
    tpu.vector_store_idx %arg7[%add3A_88], %get3A_90 : memref<512xi32, #tpu.memory_space<vmem>>[vector<16xi32>], vector<16xi32>,
    %add3A_91 = arith.constant 256 : i32
    %add3A_92 = vector.broadcast %add3A_91 : i32 to vector<16xi32>
    %add3A_93 = arith.addi %mul3A_11, %add3A_92 : vector<16xi32>
    %get3A_94 = arith.constant 128 : index
    %get3A_95 = tpu.vector_load %arg5[%get3A_94] {strides = array<i32>} : memref<256xi32, #tpu.memory_space<vmem>>, vector<16xi32>,
    tpu.vector_store_idx %arg7[%add3A_93], %get3A_95 : memref<512xi32, #tpu.memory_space<vmem>>[vector<16xi32>], vector<16xi32>,
    %add3A_96 = arith.constant 1 : i32
    %add3A_97 = vector.broadcast %add3A_96 : i32 to vector<16xi32>
    %add3A_98 = arith.addi %add3A_93, %add3A_97 : vector<16xi32>
    %get3A_99 = arith.constant 128 : index
    %get3A_100 = tpu.vector_load %arg6[%get3A_99] {strides = array<i32>} : memref<256xi32, #tpu.memory_space<vmem>>, vector<16xi32>,
    tpu.vector_store_idx %arg7[%add3A_98], %get3A_100 : memref<512xi32, #tpu.memory_space<vmem>>[vector<16xi32>], vector<16xi32>,
    %add3A_101 = arith.constant 288 : i32
    %add3A_102 = vector.broadcast %add3A_101 : i32 to vector<16xi32>
    %add3A_103 = arith.addi %mul3A_11, %add3A_102 : vector<16xi32>
    %get3A_104 = arith.constant 144 : index
    %get3A_105 = tpu.vector_load %arg5[%get3A_104] {strides = array<i32>} : memref<256xi32, #tpu.memory_space<vmem>>, vector<16xi32>,
    tpu.vector_store_idx %arg7[%add3A_103], %get3A_105 : memref<512xi32, #tpu.memory_space<vmem>>[vector<16xi32>], vector<16xi32>,
    %add3A_106 = arith.constant 1 : i32
    %add3A_107 = vector.broadcast %add3A_106 : i32 to vector<16xi32>
    %add3A_108 = arith.addi %add3A_103, %add3A_107 : vector<16xi32>
    %get3A_109 = arith.constant 144 : index
    %get3A_110 = tpu.vector_load %arg6[%get3A_109] {strides = array<i32>} : memref<256xi32, #tpu.memory_space<vmem>>, vector<16xi32>,
    tpu.vector_store_idx %arg7[%add3A_108], %get3A_110 : memref<512xi32, #tpu.memory_space<vmem>>[vector<16xi32>], vector<16xi32>,
    %add3A_111 = arith.constant 320 : i32
    %add3A_112 = vector.broadcast %add3A_111 : i32 to vector<16xi32>
    %add3A_113 = arith.addi %mul3A_11, %add3A_112 : vector<16xi32>
    %get3A_114 = arith.constant 160 : index
    %get3A_115 = tpu.vector_load %arg5[%get3A_114] {strides = array<i32>} : memref<256xi32, #tpu.memory_space<vmem>>, vector<16xi32>,
    tpu.vector_store_idx %arg7[%add3A_113], %get3A_115 : memref<512xi32, #tpu.memory_space<vmem>>[vector<16xi32>], vector<16xi32>,
    %add3A_116 = arith.constant 1 : i32
    %add3A_117 = vector.broadcast %add3A_116 : i32 to vector<16xi32>
    %add3A_118 = arith.addi %add3A_113, %add3A_117 : vector<16xi32>
    %get3A_119 = arith.constant 160 : index
    %get3A_120 = tpu.vector_load %arg6[%get3A_119] {strides = array<i32>} : memref<256xi32, #tpu.memory_space<vmem>>, vector<16xi32>,
    tpu.vector_store_idx %arg7[%add3A_118], %get3A_120 : memref<512xi32, #tpu.memory_space<vmem>>[vector<16xi32>], vector<16xi32>,
    %add3A_121 = arith.constant 352 : i32
    %add3A_122 = vector.broadcast %add3A_121 : i32 to vector<16xi32>
    %add3A_123 = arith.addi %mul3A_11, %add3A_122 : vector<16xi32>
    %get3A_124 = arith.constant 176 : index
    %get3A_125 = tpu.vector_load %arg5[%get3A_124] {strides = array<i32>} : memref<256xi32, #tpu.memory_space<vmem>>, vector<16xi32>,
    tpu.vector_store_idx %arg7[%add3A_123], %get3A_125 : memref<512xi32, #tpu.memory_space<vmem>>[vector<16xi32>], vector<16xi32>,
    %add3A_126 = arith.constant 1 : i32
    %add3A_127 = vector.broadcast %add3A_126 : i32 to vector<16xi32>
    %add3A_128 = arith.addi %add3A_123, %add3A_127 : vector<16xi32>
    %get3A_129 = arith.constant 176 : index
    %get3A_130 = tpu.vector_load %arg6[%get3A_129] {strides = array<i32>} : memref<256xi32, #tpu.memory_space<vmem>>, vector<16xi32>,
    tpu.vector_store_idx %arg7[%add3A_128], %get3A_130 : memref<512xi32, #tpu.memory_space<vmem>>[vector<16xi32>], vector<16xi32>,
    %add3A_131 = arith.constant 384 : i32
    %add3A_132 = vector.broadcast %add3A_131 : i32 to vector<16xi32>
    %add3A_133 = arith.addi %mul3A_11, %add3A_132 : vector<16xi32>
    %get3A_134 = arith.constant 192 : index
    %get3A_135 = tpu.vector_load %arg5[%get3A_134] {strides = array<i32>} : memref<256xi32, #tpu.memory_space<vmem>>, vector<16xi32>,
    tpu.vector_store_idx %arg7[%add3A_133], %get3A_135 : memref<512xi32, #tpu.memory_space<vmem>>[vector<16xi32>], vector<16xi32>,
    %add3A_136 = arith.constant 1 : i32
    %add3A_137 = vector.broadcast %add3A_136 : i32 to vector<16xi32>
    %add3A_138 = arith.addi %add3A_133, %add3A_137 : vector<16xi32>
    %get3A_139 = arith.constant 192 : index
    %get3A_140 = tpu.vector_load %arg6[%get3A_139] {strides = array<i32>} : memref<256xi32, #tpu.memory_space<vmem>>, vector<16xi32>,
    tpu.vector_store_idx %arg7[%add3A_138], %get3A_140 : memref<512xi32, #tpu.memory_space<vmem>>[vector<16xi32>], vector<16xi32>,
    %add3A_141 = arith.constant 416 : i32
    %add3A_142 = vector.broadcast %add3A_141 : i32 to vector<16xi32>
    %add3A_143 = arith.addi %mul3A_11, %add3A_142 : vector<16xi32>
    %get3A_144 = arith.constant 208 : index
    %get3A_145 = tpu.vector_load %arg5[%get3A_144] {strides = array<i32>} : memref<256xi32, #tpu.memory_space<vmem>>, vector<16xi32>,
    tpu.vector_store_idx %arg7[%add3A_143], %get3A_145 : memref<512xi32, #tpu.memory_space<vmem>>[vector<16xi32>], vector<16xi32>,
    %add3A_146 = arith.constant 1 : i32
    %add3A_147 = vector.broadcast %add3A_146 : i32 to vector<16xi32>
    %add3A_148 = arith.addi %add3A_143, %add3A_147 : vector<16xi32>
    %get3A_149 = arith.constant 208 : index
    %get3A_150 = tpu.vector_load %arg6[%get3A_149] {strides = array<i32>} : memref<256xi32, #tpu.memory_space<vmem>>, vector<16xi32>,
    tpu.vector_store_idx %arg7[%add3A_148], %get3A_150 : memref<512xi32, #tpu.memory_space<vmem>>[vector<16xi32>], vector<16xi32>,
    %add3A_151 = arith.constant 448 : i32
    %add3A_152 = vector.broadcast %add3A_151 : i32 to vector<16xi32>
    %add3A_153 = arith.addi %mul3A_11, %add3A_152 : vector<16xi32>
    %get3A_154 = arith.constant 224 : index
    %get3A_155 = tpu.vector_load %arg5[%get3A_154] {strides = array<i32>} : memref<256xi32, #tpu.memory_space<vmem>>, vector<16xi32>,
    tpu.vector_store_idx %arg7[%add3A_153], %get3A_155 : memref<512xi32, #tpu.memory_space<vmem>>[vector<16xi32>], vector<16xi32>,
    %add3A_156 = arith.constant 1 : i32
    %add3A_157 = vector.broadcast %add3A_156 : i32 to vector<16xi32>
    %add3A_158 = arith.addi %add3A_153, %add3A_157 : vector<16xi32>
    %get3A_159 = arith.constant 224 : index
    %get3A_160 = tpu.vector_load %arg6[%get3A_159] {strides = array<i32>} : memref<256xi32, #tpu.memory_space<vmem>>, vector<16xi32>,
    tpu.vector_store_idx %arg7[%add3A_158], %get3A_160 : memref<512xi32, #tpu.memory_space<vmem>>[vector<16xi32>], vector<16xi32>,
    %add3A_161 = arith.constant 480 : i32
    %add3A_162 = vector.broadcast %add3A_161 : i32 to vector<16xi32>
    %add3A_163 = arith.addi %mul3A_11, %add3A_162 : vector<16xi32>
    %get3A_164 = arith.constant 240 : index
    %get3A_165 = tpu.vector_load %arg5[%get3A_164] {strides = array<i32>} : memref<256xi32, #tpu.memory_space<vmem>>, vector<16xi32>,
    tpu.vector_store_idx %arg7[%add3A_163], %get3A_165 : memref<512xi32, #tpu.memory_space<vmem>>[vector<16xi32>], vector<16xi32>,
    %add3A_166 = arith.constant 1 : i32
    %add3A_167 = vector.broadcast %add3A_166 : i32 to vector<16xi32>
    %add3A_168 = arith.addi %add3A_163, %add3A_167 : vector<16xi32>
    %get3A_169 = arith.constant 240 : index
    %get3A_170 = tpu.vector_load %arg6[%get3A_169] {strides = array<i32>} : memref<256xi32, #tpu.memory_space<vmem>>, vector<16xi32>,
    tpu.vector_store_idx %arg7[%add3A_168], %get3A_170 : memref<512xi32, #tpu.memory_space<vmem>>[vector<16xi32>], vector<16xi32>,
    %dma_start3A = arith.constant 0 : i32
    %dma_start3A_171 = arith.constant 0 : i32
    %dma_start3A_172 = tpu.memref_slice %arg8[%dma_start3A, %dma_start3A_171] : memref<512x64xf32, #tpu.memory_space<vmem>> -> memref<128x64xf32, #tpu.memory_space<vmem>>
    %dma_start3A_173 = arith.constant 0 : i32
    %dma_start3A_174 = tpu.memref_slice %arg7[%dma_start3A_173] : memref<512xi32, #tpu.memory_space<vmem>> -> memref<128xi32, #tpu.memory_space<vmem>>
    %dma_start3A_175 = arith.constant 0 : i32
    %dma_start3A_176 = arith.constant 0 : i32
    %dma_start3A_177 = tpu.memref_slice %arg2[%dma_start3A_175, %dma_start3A_176] : memref<1000x64xf32, #tpu.memory_space<hbm>> -> memref<1000x64xf32, #tpu.memory_space<hbm>>
    tpu.enqueue_indirect_dma source(%dma_start3A_177 : memref<1000x64xf32, #tpu.memory_space<hbm>>) target(%dma_start3A_172 : memref<128x64xf32, #tpu.memory_space<vmem>>) offsets(%dma_start3A_174 : memref<128xi32, #tpu.memory_space<vmem>>) semaphore(%arg9 : memref<!tpu.dma_semaphore, #tpu.memory_space<semaphore_mem>>)
    %dma_start3A_178 = arith.constant 128 : i32
    %dma_start3A_179 = arith.constant 0 : i32
    %dma_start3A_180 = tpu.memref_slice %arg8[%dma_start3A_178, %dma_start3A_179] : memref<512x64xf32, #tpu.memory_space<vmem>> -> memref<128x64xf32, #tpu.memory_space<vmem>>
    %dma_start3A_181 = arith.constant 128 : i32
    %dma_start3A_182 = tpu.memref_slice %arg7[%dma_start3A_181] : memref<512xi32, #tpu.memory_space<vmem>> -> memref<128xi32, #tpu.memory_space<vmem>>
    %dma_start3A_183 = arith.constant 0 : i32
    %dma_start3A_184 = arith.constant 0 : i32
    %dma_start3A_185 = tpu.memref_slice %arg2[%dma_start3A_183, %dma_start3A_184] : memref<1000x64xf32, #tpu.memory_space<hbm>> -> memref<1000x64xf32, #tpu.memory_space<hbm>>
    tpu.enqueue_indirect_dma source(%dma_start3A_185 : memref<1000x64xf32, #tpu.memory_space<hbm>>) target(%dma_start3A_180 : memref<128x64xf32, #tpu.memory_space<vmem>>) offsets(%dma_start3A_182 : memref<128xi32, #tpu.memory_space<vmem>>) semaphore(%arg9 : memref<!tpu.dma_semaphore, #tpu.memory_space<semaphore_mem>>)
    %dma_start3A_186 = arith.constant 256 : i32
    %dma_start3A_187 = arith.constant 0 : i32
    %dma_start3A_188 = tpu.memref_slice %arg8[%dma_start3A_186, %dma_start3A_187] : memref<512x64xf32, #tpu.memory_space<vmem>> -> memref<128x64xf32, #tpu.memory_space<vmem>>
    %dma_start3A_189 = arith.constant 256 : i32
    %dma_start3A_190 = tpu.memref_slice %arg7[%dma_start3A_189] : memref<512xi32, #tpu.memory_space<vmem>> -> memref<128xi32, #tpu.memory_space<vmem>>
    %dma_start3A_191 = arith.constant 0 : i32
    %dma_start3A_192 = arith.constant 0 : i32
    %dma_start3A_193 = tpu.memref_slice %arg2[%dma_start3A_191, %dma_start3A_192] : memref<1000x64xf32, #tpu.memory_space<hbm>> -> memref<1000x64xf32, #tpu.memory_space<hbm>>
    tpu.enqueue_indirect_dma source(%dma_start3A_193 : memref<1000x64xf32, #tpu.memory_space<hbm>>) target(%dma_start3A_188 : memref<128x64xf32, #tpu.memory_space<vmem>>) offsets(%dma_start3A_190 : memref<128xi32, #tpu.memory_space<vmem>>) semaphore(%arg9 : memref<!tpu.dma_semaphore, #tpu.memory_space<semaphore_mem>>)
    %dma_start3A_194 = arith.constant 384 : i32
    %dma_start3A_195 = arith.constant 0 : i32
    %dma_start3A_196 = tpu.memref_slice %arg8[%dma_start3A_194, %dma_start3A_195] : memref<512x64xf32, #tpu.memory_space<vmem>> -> memref<128x64xf32, #tpu.memory_space<vmem>>
    %dma_start3A_197 = arith.constant 384 : i32
    %dma_start3A_198 = tpu.memref_slice %arg7[%dma_start3A_197] : memref<512xi32, #tpu.memory_space<vmem>> -> memref<128xi32, #tpu.memory_space<vmem>>
    %dma_start3A_199 = arith.constant 0 : i32
    %dma_start3A_200 = arith.constant 0 : i32
    %dma_start3A_201 = tpu.memref_slice %arg2[%dma_start3A_199, %dma_start3A_200] : memref<1000x64xf32, #tpu.memory_space<hbm>> -> memref<1000x64xf32, #tpu.memory_space<hbm>>
    tpu.enqueue_indirect_dma source(%dma_start3A_201 : memref<1000x64xf32, #tpu.memory_space<hbm>>) target(%dma_start3A_196 : memref<128x64xf32, #tpu.memory_space<vmem>>) offsets(%dma_start3A_198 : memref<128xi32, #tpu.memory_space<vmem>>) semaphore(%arg9 : memref<!tpu.dma_semaphore, #tpu.memory_space<semaphore_mem>>)
    %dma_wait3A = arith.constant 0 : i32
    %dma_wait3A_202 = arith.constant 0 : i32
    %dma_wait3A_203 = tpu.memref_slice %arg8[%dma_wait3A, %dma_wait3A_202] : memref<512x64xf32, #tpu.memory_space<vmem>> -> memref<128x64xf32, #tpu.memory_space<vmem>>
    %dma_wait3A_204 = arith.constant 0 : i32
    %dma_wait3A_205 = tpu.memref_slice %arg7[%dma_wait3A_204] : memref<512xi32, #tpu.memory_space<vmem>> -> memref<128xi32, #tpu.memory_space<vmem>>
    %dma_wait3A_206 = arith.constant 0 : i32
    %dma_wait3A_207 = arith.constant 0 : i32
    %dma_wait3A_208 = tpu.memref_slice %arg2[%dma_wait3A_206, %dma_wait3A_207] : memref<1000x64xf32, #tpu.memory_space<hbm>> -> memref<1000x64xf32, #tpu.memory_space<hbm>>
    tpu.wait_indirect_dma semaphore(%arg9 : memref<!tpu.dma_semaphore, #tpu.memory_space<semaphore_mem>>) src(%dma_wait3A_208 : memref<1000x64xf32, #tpu.memory_space<hbm>>) dst(%dma_wait3A_203 : memref<128x64xf32, #tpu.memory_space<vmem>>)
    %dma_wait3A_209 = arith.constant 128 : i32
    %dma_wait3A_210 = arith.constant 0 : i32
    %dma_wait3A_211 = tpu.memref_slice %arg8[%dma_wait3A_209, %dma_wait3A_210] : memref<512x64xf32, #tpu.memory_space<vmem>> -> memref<128x64xf32, #tpu.memory_space<vmem>>
    %dma_wait3A_212 = arith.constant 128 : i32
    %dma_wait3A_213 = tpu.memref_slice %arg7[%dma_wait3A_212] : memref<512xi32, #tpu.memory_space<vmem>> -> memref<128xi32, #tpu.memory_space<vmem>>
    %dma_wait3A_214 = arith.constant 0 : i32
    %dma_wait3A_215 = arith.constant 0 : i32
    %dma_wait3A_216 = tpu.memref_slice %arg2[%dma_wait3A_214, %dma_wait3A_215] : memref<1000x64xf32, #tpu.memory_space<hbm>> -> memref<1000x64xf32, #tpu.memory_space<hbm>>
    tpu.wait_indirect_dma semaphore(%arg9 : memref<!tpu.dma_semaphore, #tpu.memory_space<semaphore_mem>>) src(%dma_wait3A_216 : memref<1000x64xf32, #tpu.memory_space<hbm>>) dst(%dma_wait3A_211 : memref<128x64xf32, #tpu.memory_space<vmem>>)
    %dma_wait3A_217 = arith.constant 256 : i32
    %dma_wait3A_218 = arith.constant 0 : i32
    %dma_wait3A_219 = tpu.memref_slice %arg8[%dma_wait3A_217, %dma_wait3A_218] : memref<512x64xf32, #tpu.memory_space<vmem>> -> memref<128x64xf32, #tpu.memory_space<vmem>>
    %dma_wait3A_220 = arith.constant 256 : i32
    %dma_wait3A_221 = tpu.memref_slice %arg7[%dma_wait3A_220] : memref<512xi32, #tpu.memory_space<vmem>> -> memref<128xi32, #tpu.memory_space<vmem>>
    %dma_wait3A_222 = arith.constant 0 : i32
    %dma_wait3A_223 = arith.constant 0 : i32
    %dma_wait3A_224 = tpu.memref_slice %arg2[%dma_wait3A_222, %dma_wait3A_223] : memref<1000x64xf32, #tpu.memory_space<hbm>> -> memref<1000x64xf32, #tpu.memory_space<hbm>>
    tpu.wait_indirect_dma semaphore(%arg9 : memref<!tpu.dma_semaphore, #tpu.memory_space<semaphore_mem>>) src(%dma_wait3A_224 : memref<1000x64xf32, #tpu.memory_space<hbm>>) dst(%dma_wait3A_219 : memref<128x64xf32, #tpu.memory_space<vmem>>)
    %dma_wait3A_225 = arith.constant 384 : i32
    %dma_wait3A_226 = arith.constant 0 : i32
    %dma_wait3A_227 = tpu.memref_slice %arg8[%dma_wait3A_225, %dma_wait3A_226] : memref<512x64xf32, #tpu.memory_space<vmem>> -> memref<128x64xf32, #tpu.memory_space<vmem>>
    %dma_wait3A_228 = arith.constant 384 : i32
    %dma_wait3A_229 = tpu.memref_slice %arg7[%dma_wait3A_228] : memref<512xi32, #tpu.memory_space<vmem>> -> memref<128xi32, #tpu.memory_space<vmem>>
    %dma_wait3A_230 = arith.constant 0 : i32
    %dma_wait3A_231 = arith.constant 0 : i32
    %dma_wait3A_232 = tpu.memref_slice %arg2[%dma_wait3A_230, %dma_wait3A_231] : memref<1000x64xf32, #tpu.memory_space<hbm>> -> memref<1000x64xf32, #tpu.memory_space<hbm>>
    tpu.wait_indirect_dma semaphore(%arg9 : memref<!tpu.dma_semaphore, #tpu.memory_space<semaphore_mem>>) src(%dma_wait3A_232 : memref<1000x64xf32, #tpu.memory_space<hbm>>) dst(%dma_wait3A_227 : memref<128x64xf32, #tpu.memory_space<vmem>>)
    "tpu.region"() ({
      %run_scoped3A = tpu.sem_alloc : memref<!tpu.dma_semaphore, #tpu.memory_space<semaphore_mem>>
      %dma_start3A_233 = arith.constant 0 : i32
      %dma_start3A_234 = tpu.memref_slice %arg4[%mul3A_2, %dma_start3A_233] : memref<16384x64xf32, #tpu.memory_space<hbm>> -> memref<512x64xf32, #tpu.memory_space<hbm>>
      %dma_start3A_235 = arith.constant 0 : i32
      %dma_start3A_236 = tpu.memref_slice %arg4[%mul3A_2, %dma_start3A_235] : memref<16384x64xf32, #tpu.memory_space<hbm>> -> memref<512x64xf32, #tpu.memory_space<hbm>>
      tpu.enqueue_dma source(%arg8 : memref<512x64xf32, #tpu.memory_space<vmem>>) target(%dma_start3A_236 : memref<512x64xf32, #tpu.memory_space<hbm>>) target_semaphore(%run_scoped3A : memref<!tpu.dma_semaphore, #tpu.memory_space<semaphore_mem>>)
      %dma_wait3A_237 = arith.constant 0 : i32
      %dma_wait3A_238 = tpu.memref_slice %arg4[%mul3A_2, %dma_wait3A_237] : memref<16384x64xf32, #tpu.memory_space<hbm>> -> memref<512x64xf32, #tpu.memory_space<hbm>>
      %dma_wait3A_239 = arith.constant 0 : i32
      %dma_wait3A_240 = tpu.memref_slice %arg4[%mul3A_2, %dma_wait3A_239] : memref<16384x64xf32, #tpu.memory_space<hbm>> -> memref<512x64xf32, #tpu.memory_space<hbm>>
      tpu.wait_dma2 semaphore(%run_scoped3A : memref<!tpu.dma_semaphore, #tpu.memory_space<semaphore_mem>>) src(%arg8 : memref<512x64xf32, #tpu.memory_space<vmem>>) dst(%dma_wait3A_240 : memref<512x64xf32, #tpu.memory_space<hbm>>)
      tpu.yield
    }) : () -> ()
    return
  }
}

module attributes {stable_mosaic.version = 14 : i64} {
  func.func @_mlp_body(%arg0: i32, %arg1: memref<4096x128xf32, #tpu.memory_space<vmem>>, %arg2: memref<64x128xf32, #tpu.memory_space<vmem>>, %arg3: memref<1x128xf32, #tpu.memory_space<vmem>>, %arg4: memref<64x128xf32, #tpu.memory_space<vmem>>, %arg5: memref<64x1xf32, #tpu.memory_space<vmem>>, %arg6: memref<64x16384xf32, #tpu.memory_space<vmem>>) attributes {dimension_semantics = [#tpu.dimension_semantics<arbitrary>], iteration_bounds = array<i64: 2>, scalar_prefetch = 0 : i64, scratch_operands = 0 : i64, tpu.core_type = #tpu.core_type<tc>, window_params = [{transform_indices = @transform_0, window_bounds = array<i64: 4096, 128>}, {pipeline_mode = #tpu.pipeline_mode<synchronous>, transform_indices = @transform_1, window_bounds = array<i64: 64, 128>}, {pipeline_mode = #tpu.pipeline_mode<synchronous>, transform_indices = @transform_2, window_bounds = array<i64: 1, 128>}, {pipeline_mode = #tpu.pipeline_mode<synchronous>, transform_indices = @transform_3, window_bounds = array<i64: 64, 128>}, {pipeline_mode = #tpu.pipeline_mode<synchronous>, transform_indices = @transform_4, window_bounds = array<i64: 64, 1>}, {pipeline_mode = #tpu.pipeline_mode<synchronous>, transform_indices = @transform_5, window_bounds = array<i64: 64, 16384>}]} {
    %get3A = arith.constant 0 : index
    %get3A_0 = arith.constant 0 : index
    %get3A_1 = vector.load %arg2[%get3A, %get3A_0] : memref<64x128xf32, #tpu.memory_space<vmem>>, vector<64x128xf32>
    %get3A_2 = arith.constant 0 : index
    %get3A_3 = arith.constant 0 : index
    %get3A_4 = vector.load %arg3[%get3A_2, %get3A_3] : memref<1x128xf32, #tpu.memory_space<vmem>>, vector<1x128xf32>
    %get3A_5 = arith.constant 0 : index
    %get3A_6 = arith.constant 0 : index
    %get3A_7 = vector.load %arg4[%get3A_5, %get3A_6] : memref<64x128xf32, #tpu.memory_space<vmem>>, vector<64x128xf32>
    %get3A_8 = arith.constant 0 : index
    %get3A_9 = arith.constant 0 : index
    %get3A_10 = vector.load %arg5[%get3A_8, %get3A_9] : memref<64x1xf32, #tpu.memory_space<vmem>>, vector<64x1xf32>
    %get3A_11 = arith.constant 0 : index
    %get3A_12 = arith.constant 0 : index
    %get3A_13 = vector.load %arg1[%get3A_11, %get3A_12] : memref<4096x128xf32, #tpu.memory_space<vmem>>, vector<4096x64xf32>
    %dot_general3A = arith.constant dense<0.000000e+00> : vector<4096x128xf32>
    %dot_general3A_14 = tpu.matmul %get3A_13, %get3A_1, %dot_general3A {dimension_numbers = #tpu.dot_dimension_numbers<[1], [0], [0], [1], [0, 0, 1, 1], [], []>, transpose_lhs_hint = false} : vector<4096x64xf32>, vector<64x128xf32>, vector<4096x128xf32> -> vector<4096x128xf32>
    %add3A = vector.broadcast %get3A_4 : vector<1x128xf32> to vector<4096x128xf32>
    %add3A_15 = arith.addf %dot_general3A_14, %add3A : vector<4096x128xf32>
    %custom_jvp_call3A = arith.constant 0.000000e+00 : f32
    %max3A = vector.broadcast %custom_jvp_call3A : f32 to vector<4096x128xf32>
    %max3A_16 = arith.maximumf %add3A_15, %max3A : vector<4096x128xf32>
    %sub3A = vector.broadcast %custom_jvp_call3A : f32 to vector<4096x128xf32>
    %sub3A_17 = arith.subf %add3A_15, %sub3A : vector<4096x128xf32>
    %ne3A = arith.cmpf one, %sub3A_17, %sub3A_17 : vector<4096x128xf32>
    %add3A_18 = vector.broadcast %custom_jvp_call3A : f32 to vector<4096x128xf32>
    %add3A_19 = arith.addf %add3A_15, %add3A_18 : vector<4096x128xf32>
    %abs3A = math.absf %sub3A_17 : vector<4096x128xf32>
    %neg3A = arith.constant 0.000000e+00 : f32
    %neg3A_20 = vector.broadcast %neg3A : f32 to vector<4096x128xf32>
    %neg3A_21 = arith.subf %neg3A_20, %abs3A : vector<4096x128xf32>
    %exp3A = math.exp %neg3A_21 : vector<4096x128xf32>
    %log1p3A = math.log1p %exp3A : vector<4096x128xf32>
    %add3A_22 = arith.addf %max3A_16, %log1p3A : vector<4096x128xf32>
    %select_n3A = arith.select %ne3A, %add3A_19, %add3A_22 : vector<4096x128xi1>, vector<4096x128xf32>
    %tanh3A = math.tanh %select_n3A : vector<4096x128xf32>
    %mul3A = arith.mulf %add3A_15, %tanh3A : vector<4096x128xf32>
    %dot_general3A_23 = arith.constant dense<0.000000e+00> : vector<64x4096xf32>
    %dot_general3A_24 = tpu.matmul %get3A_7, %mul3A, %dot_general3A_23 {dimension_numbers = #tpu.dot_dimension_numbers<[1], [1], [0], [0], [0, 0, 1, 0], [], []>, transpose_lhs_hint = false} : vector<64x128xf32>, vector<4096x128xf32>, vector<64x4096xf32> -> vector<64x4096xf32>
    %add3A_25 = vector.broadcast %get3A_10 : vector<64x1xf32> to vector<64x4096xf32>
    %add3A_26 = arith.addf %dot_general3A_24, %add3A_25 : vector<64x4096xf32>
    %mul3A_27 = arith.constant 4096 : i32
    %mul3A_28 = arith.muli %arg0, %mul3A_27 : i32
    %add3A_29 = arith.constant 0 : i32
    %add3A_30 = arith.addi %add3A_29, %mul3A_28 : i32
    %swap3A = arith.constant 0 : index
    %swap3A_31 = arith.index_cast %add3A_30 : i32 to index
    %swap3A_32 = vector.load %arg6[%swap3A, %swap3A_31] : memref<64x16384xf32, #tpu.memory_space<vmem>>, vector<64x4096xf32>
    tpu.vector_store %arg6[%swap3A, %swap3A_31], %add3A_26 {strides = array<i32>} : memref<64x16384xf32, #tpu.memory_space<vmem>>, vector<64x4096xf32>,
    %get3A_33 = arith.constant 0 : index
    %get3A_34 = arith.constant 64 : index
    %get3A_35 = vector.load %arg1[%get3A_33, %get3A_34] : memref<4096x128xf32, #tpu.memory_space<vmem>>, vector<4096x64xf32>
    %dot_general3A_36 = arith.constant dense<0.000000e+00> : vector<4096x128xf32>
    %dot_general3A_37 = tpu.matmul %get3A_35, %get3A_1, %dot_general3A_36 {dimension_numbers = #tpu.dot_dimension_numbers<[1], [0], [0], [1], [0, 0, 1, 1], [], []>, transpose_lhs_hint = false} : vector<4096x64xf32>, vector<64x128xf32>, vector<4096x128xf32> -> vector<4096x128xf32>
    %add3A_38 = vector.broadcast %get3A_4 : vector<1x128xf32> to vector<4096x128xf32>
    %add3A_39 = arith.addf %dot_general3A_37, %add3A_38 : vector<4096x128xf32>
    %custom_jvp_call3A_40 = arith.constant 0.000000e+00 : f32
    %max3A_41 = vector.broadcast %custom_jvp_call3A_40 : f32 to vector<4096x128xf32>
    %max3A_42 = arith.maximumf %add3A_39, %max3A_41 : vector<4096x128xf32>
    %sub3A_43 = vector.broadcast %custom_jvp_call3A_40 : f32 to vector<4096x128xf32>
    %sub3A_44 = arith.subf %add3A_39, %sub3A_43 : vector<4096x128xf32>
    %ne3A_45 = arith.cmpf one, %sub3A_44, %sub3A_44 : vector<4096x128xf32>
    %add3A_46 = vector.broadcast %custom_jvp_call3A_40 : f32 to vector<4096x128xf32>
    %add3A_47 = arith.addf %add3A_39, %add3A_46 : vector<4096x128xf32>
    %abs3A_48 = math.absf %sub3A_44 : vector<4096x128xf32>
    %neg3A_49 = arith.constant 0.000000e+00 : f32
    %neg3A_50 = vector.broadcast %neg3A_49 : f32 to vector<4096x128xf32>
    %neg3A_51 = arith.subf %neg3A_50, %abs3A_48 : vector<4096x128xf32>
    %exp3A_52 = math.exp %neg3A_51 : vector<4096x128xf32>
    %log1p3A_53 = math.log1p %exp3A_52 : vector<4096x128xf32>
    %add3A_54 = arith.addf %max3A_42, %log1p3A_53 : vector<4096x128xf32>
    %select_n3A_55 = arith.select %ne3A_45, %add3A_47, %add3A_54 : vector<4096x128xi1>, vector<4096x128xf32>
    %tanh3A_56 = math.tanh %select_n3A_55 : vector<4096x128xf32>
    %mul3A_57 = arith.mulf %add3A_39, %tanh3A_56 : vector<4096x128xf32>
    %dot_general3A_58 = arith.constant dense<0.000000e+00> : vector<64x4096xf32>
    %dot_general3A_59 = tpu.matmul %get3A_7, %mul3A_57, %dot_general3A_58 {dimension_numbers = #tpu.dot_dimension_numbers<[1], [1], [0], [0], [0, 0, 1, 0], [], []>, transpose_lhs_hint = false} : vector<64x128xf32>, vector<4096x128xf32>, vector<64x4096xf32> -> vector<64x4096xf32>
    %add3A_60 = vector.broadcast %get3A_10 : vector<64x1xf32> to vector<64x4096xf32>
    %add3A_61 = arith.addf %dot_general3A_59, %add3A_60 : vector<64x4096xf32>
    %mul3A_62 = arith.constant 4096 : i32
    %mul3A_63 = arith.muli %arg0, %mul3A_62 : i32
    %add3A_64 = arith.constant 8192 : i32
    %add3A_65 = arith.addi %add3A_64, %mul3A_63 : i32
    %swap3A_66 = arith.constant 0 : index
    %swap3A_67 = arith.index_cast %add3A_65 : i32 to index
    %swap3A_68 = vector.load %arg6[%swap3A_66, %swap3A_67] : memref<64x16384xf32, #tpu.memory_space<vmem>>, vector<64x4096xf32>
    tpu.vector_store %arg6[%swap3A_66, %swap3A_67], %add3A_61 {strides = array<i32>} : memref<64x16384xf32, #tpu.memory_space<vmem>>, vector<64x4096xf32>,
    return
  }
  func.func @transform_0(%arg0: i32) -> (i32, i32) {
    %c0_i32 = arith.constant 0 : i32
    %c0_i32_0 = arith.constant 0 : i32
    return %arg0, %c0_i32 : i32, i32
  }
  func.func @transform_1(%arg0: i32) -> (i32, i32) {
    %c0_i32 = arith.constant 0 : i32
    %c0_i32_0 = arith.constant 0 : i32
    %c0_i32_1 = arith.constant 0 : i32
    return %c0_i32, %c0_i32_0 : i32, i32
  }
  func.func @transform_2(%arg0: i32) -> (i32, i32) {
    %c0_i32 = arith.constant 0 : i32
    %c0_i32_0 = arith.constant 0 : i32
    %c0_i32_1 = arith.constant 0 : i32
    return %c0_i32, %c0_i32_0 : i32, i32
  }
  func.func @transform_3(%arg0: i32) -> (i32, i32) {
    %c0_i32 = arith.constant 0 : i32
    %c0_i32_0 = arith.constant 0 : i32
    %c0_i32_1 = arith.constant 0 : i32
    return %c0_i32, %c0_i32_0 : i32, i32
  }
  func.func @transform_4(%arg0: i32) -> (i32, i32) {
    %c0_i32 = arith.constant 0 : i32
    %c0_i32_0 = arith.constant 0 : i32
    %c0_i32_1 = arith.constant 0 : i32
    return %c0_i32, %c0_i32_0 : i32, i32
  }
  func.func @transform_5(%arg0: i32) -> (i32, i32) {
    %c0_i32 = arith.constant 0 : i32
    %c0_i32_0 = arith.constant 0 : i32
    %c0_i32_1 = arith.constant 0 : i32
    return %c0_i32, %c0_i32_0 : i32, i32
  }
}

</mosaic_0001>

<sc_bundles>
// kernel: kernel.4.cloned.1.call-start
scs
__scs_entry_jumppad:
0x0: {  	(pc) =	sbr.rel $0x88, $3  }
0x1: {  	(tag) =	ssettag $0x0;
	lr =	simm.s32 $0x1  }
0x2: {  	[smem:$0x3F9B] =	sst lr;
	_ =	strace $0xD0000000  }
0x3: {  	_ = 	snop  }
0x4: {  	_ = 	snop  }
0x5: {  	_ = 	snop  }
0x6: {  	_ = 	snop  }
0x7: {  	_ = 	snop  }
__scs_overlays_trampoline_lowered:
0x8: {  	[smem:$0x3FAA] =	sst s0  }
0x9: {  	[smem:$0x3FAB] =	sst s1  }
0xa: {  	[smem:$0x3FAC] =	sst s2  }
0xb: {  	[smem:$0x3FAD] =	sst s3  }
0xc: {  	[smem:$0x3FAE] =	sst s4  }
0xd: {  	[smem:$0x3FAF] =	sst s5  }
0xe: {  	[smem:$0x3FB0] =	sst s6  }
0xf: {  	[smem:$0x3FB1] =	sst s7  }
0x10: {  	[smem:$0x3FB2] =	sst s8  }
0x11: {  	[smem:$0x3FB3] =	sst s9;
	s0 =	simm.s32 @!p0 $0x0  }
0x12: {  	s1 =	sld [smem:$0x3F99];
	s0 =	simm.s32 @p0 $0x1  }
0x13: {  	[smem:$0x3FB4] =	sst s0;
	s0 =	simm.s32 @!p1 $0x0  }
0x14: {  	s2 =	sld [smem:$0x3F98];
	s0 =	simm.s32 @p1 $0x1  }
0x15: {  	[smem:$0x3FB5] =	sst s0;
	s0 =	simm.s32 @!p2 $0x0  }
0x16: {  	s3 =	sld [smem:$0x3FDB];
	s0 =	simm.s32 @p2 $0x1  }
0x17: {  	s4 =	simm.s32 $0x1BF5;
	[smem:$0x3FB7] =	sst s0  }
0x18: {  	s0 =	sld [smem:$0x3F9A];
	_ =	swait.ge [sflag:s4], $0x0  }
0x19: {  	s7 =	sld [smem:$0x3F9B]  }
0x1a: {  	s8 =	sadd.s32 $0xFFFFE003, lr  }
0x1b: {  	s9 =	sadd.s32 $0xFFFFFEF7, lr;
	s5 =	simm.s32 $0xFFFFFFFF;
	p2 =	slt.u32 s8, $0xFFFFF086  }
0x1c: {  	p1 =	slt.u32 s9, $0xF7A;
	s5 =	simm.s32 @!p2 $0x0  }
0x1d: {  	s5 =	simm.s32 @p1 $0x1;
	p0 =	seq.s32 s7, s2  }
0x1e: {  	s7 =	smul.u32 @!p0 $0xF7A, s2;
	p2 =	seq.s32 @!p0 s5, $0x0  }
0x1f: {  	s9 =	smul.u32 $0xF7A, s1;
	s8 =	simm.s32 @!p0 $0x1BF5;
	p2 =	por !p2, p0  }
0x20: {  	[sflag:s8] =	ssyncset.s32 @!p0 $0xFFFFF086;
	s6 =	sadd.s32 @!p0 s3, s7;
	s7 =	simm.s32 @!p0 $0x108  }
0x21: {  	s3 =	sadd.s32 s3, s9;
	s6 =	sadd.s32 @!p0 $0x88, s6;
	s7 =	simm.s32 @p2 $0x1082  }
0x22: {  	[simem:s7], [sflag:s8] =	dma.local @!p0 [hbm:s6], $0xF7A  }
0x23: {  	s9 =	sor.u32 $0xD0000000, s2;
	s6 =	simm.s32 $0x108;
	_ =	swait.ge @!p0 [sflag:s8], $0x0  }
0x24: {  	s3 =	sadd.s32 $0x88, s3;
	s6 =	simm.s32 @!p1 $0x1082;
	[sflag:s4] =	ssyncset.s32 $0xFFFFF086  }
0x25: {  	[simem:s6], [sflag:s4] =	dma.local [hbm:s3], $0xF7A  }
0x26: {  	[smem:$0x3F9B] =	sst s1;
	(tag) =	ssettag s2;
	_ =	strace s9  }
0x27: {  	s1 =	sld [smem:$0x3FAB]  }
0x28: {  	s2 =	sld [smem:$0x3FAC]  }
0x29: {  	s4 =	sld [smem:$0x3FAE]  }
0x2a: {  	p0 =	seq.s32 s5, $0x0;
	s5 =	sld [smem:$0x3FAF]  }
0x2b: {  	s6 =	sld [smem:$0x3FB0]  }
0x2c: {  	s7 =	sld [smem:$0x3FB1]  }
0x2d: {  	s3 =	simm.s32 $0x108;
	s8 =	sld [smem:$0x3FB2]  }
0x2e: {  	s3 =	simm.s32 @!p0 $0x1082;
	s9 =	sld [smem:$0x3FB3]  }
0x2f: {  	lr =	sadd.s32 s0, s3;
	s0 =	sld [smem:$0x3FAA]  }
0x30: {  	s3 =	sld [smem:$0x3FAD]  }
0x31: {  	[smem:$0x3FB6] =	sst s10  }
0x32: {  	s10 =	sld [smem:$0x3FB4];
	_ =	sdelay $0x3  }
0x33: {  	p0 =	seq.s32 s10, $0x1;
	s10 =	sld [smem:$0x3FB6];
	_ =	sdelay $0x3  }
0x34: {  	[smem:$0x3FB6] =	sst s10  }
0x35: {  	s10 =	sld [smem:$0x3FB5];
	_ =	sdelay $0x3  }
0x36: {  	p1 =	seq.s32 s10, $0x1;
	s10 =	sld [smem:$0x3FB6];
	_ =	sdelay $0x3  }
0x37: {  	[smem:$0x3FB6] =	sst s10  }
0x38: {  	s10 =	sld [smem:$0x3FB7]  }
0x39: {  	_ = 	snop;
	(pc) =	sbr.ind lr, $3  }
0x3a: {  	_ = 	snop  }
0x3b: {  	_ = 	snop  }
0x3c: {  	p2 =	seq.s32 s10, $0x1;
	s10 =	sld [smem:$0x3FB6]  }
0x3d: {  	_ =	shalt  }
0x3e: {  	_ =	shalt  }
0x3f: {  	_ =	shalt  }
0x40: {  	_ =	shalt  }
0x41: {  	_ =	shalt  }
0x42: {  	_ =	shalt  }
0x43: {  	_ =	shalt  }
0x44: {  	_ =	shalt  }
0x45: {  	_ =	shalt  }
0x46: {  	_ =	shalt  }
0x47: {  	_ =	shalt  }
0x48: {  	_ =	shalt  }
0x49: {  	_ =	shalt  }
0x4a: {  	_ =	shalt  }
0x4b: {  	_ =	shalt  }
0x4c: {  	_ =	shalt  }
0x4d: {  	_ =	shalt  }
0x4e: {  	_ =	shalt  }
0x4f: {  	_ =	shalt  }
0x50: {  	_ =	shalt  }
0x51: {  	_ =	shalt  }
0x52: {  	_ =	shalt  }
0x53: {  	_ =	shalt  }
0x54: {  	_ =	shalt  }
0x55: {  	_ =	shalt  }
0x56: {  	_ =	shalt  }
0x57: {  	_ =	shalt  }
0x58: {  	_ =	shalt  }
0x59: {  	_ =	shalt  }
0x5a: {  	_ =	shalt  }
0x5b: {  	_ =	shalt  }
0x5c: {  	_ =	shalt  }
0x5d: {  	_ =	shalt  }
0x5e: {  	_ =	shalt  }
0x5f: {  	_ =	shalt  }
0x60: {  	_ =	shalt  }
0x61: {  	_ =	shalt  }
0x62: {  	_ =	shalt  }
0x63: {  	_ =	shalt  }
0x64: {  	_ =	shalt  }
0x65: {  	_ =	shalt  }
0x66: {  	_ =	shalt  }
0x67: {  	_ =	shalt  }
0x68: {  	_ =	shalt  }
0x69: {  	_ =	shalt  }
0x6a: {  	_ =	shalt  }
0x6b: {  	_ =	shalt  }
0x6c: {  	_ =	shalt  }
0x6d: {  	_ =	shalt  }
0x6e: {  	_ =	shalt  }
0x6f: {  	_ =	shalt  }
0x70: {  	_ =	shalt  }
0x71: {  	_ =	shalt  }
0x72: {  	_ =	shalt  }
0x73: {  	_ =	shalt  }
0x74: {  	_ =	shalt  }
0x75: {  	_ =	shalt  }
0x76: {  	_ =	shalt  }
0x77: {  	_ =	shalt  }
0x78: {  	_ =	shalt  }
0x79: {  	_ =	shalt  }
0x7a: {  	_ =	shalt  }
0x7b: {  	_ =	shalt  }
0x7c: {  	_ =	shalt  }
0x7d: {  	_ =	shalt  }
0x7e: {  	_ =	shalt  }
0x7f: {  	_ =	shalt  }
0x80: {  	_ =	shalt  }
0x81: {  	_ =	shalt  }
0x82: {  	_ =	shalt  }
0x83: {  	_ =	shalt  }
0x84: {  	_ =	shalt  }
0x85: {  	_ =	shalt  }
0x86: {  	_ =	shalt  }
0x87: {  	_ =	shalt  }
.Lfunc_end0:
.L_simem_size_0:
called_computation_lowered:
.L_overlay_start_0:
0x88: {  	s2 =	sld [smem:$0x3FD9]  }
0x89: {  	s3 =	sld [smem:$0x3FFE];
	_ =	sdelay $0x1  }
0x8a: {  	s1 =	srdreg.scid  }
0x8b: {  	s0 =	sand.u32 $0x1, s1  }
0x8c: {  	s17 =	sshll.u32 s0, $0xA;
	s2 =	sadd.s32 s3, s2  }
0x8d: {  	s2 =	sadd.s32 s2, s17  }
0x8e: {  	[smem:$0x3FC2] =	sst s2  }
0x8f: {  	_ = 	snop  }
0x90: {  	s2 =	sld [smem:$0x3FC9]  }
0x91: {  	s18 =	sld [smem:$0x3FD0];
	(tm) =	ssettm $0x1  }
0x92: {  	s4 =	sld [smem:$0x3FFB];
	_ =	sdelay $0x3  }
0x93: {  	_ =	strace s4  }
0x94: {  	s4 =	sld [smem:$0x3FFC];
	_ =	sdelay $0x3  }
0x95: {  	_ =	strace s4  }
0x96: {  	s4 =	sld [smem:$0x3FFD];
	_ =	sdelay $0x3  }
0x97: {  	_ =	strace s4  }
0x98: {  	_ =	strace $0x8FFFFFFF  }
0x99: {  	s19 =	sld [smem:$0x3FDB];
	_ =	sdelay $0x1  }
0x9a: {  	s5 =	simm.s32 $_scs_section_size  }
0x9b: {  	s6 =	simm.s32 $_size__tile_overlayer_lowered;
	s7 =	simm.s32 $_tile_overlayer_lowered  }
0x9c: {  	s22 =	simm.s32 $0x1BFF;
	s21 =	sshll.u32 s7, $0x1;
	s4 =	sadd.s32 s5, s19  }
0x9d: {  	s8 =	simm.s32 $0x0;
	s20 =	sshll.u32 s6, $0x1;
	s6 =	sadd.s32 s21, s4  }
0x9e: {  	[timem:s8], [sflag:s22] =	dma.local [hbm:s6], s20  }
0x9f: {  	_ =	swait.ge [sflag:s22], s20  }
0xa0: {  	s5 =	ssub.s32 $0x0, s20;
	[sflag:s22] =	ssyncset.done $0x0  }
0xa1: {  	[sflag:s22] =	ssyncadd.s32 s5;
	_ =	sdelay $0x1  }
0xa2: {  	s23 =	simm.s32 $0x1B8B  }
0xa3: {  	_ =	swait.ge [sflag:s23], $0x1  }
0xa4: {  	[sflag:s23] =	ssyncset.done $0x0  }
0xa5: {  	s25 =	simm.s32 $0x1B8E;
	s24 =	sld [smem:$0x3FFE];
	[sflag:s23] =	ssyncadd.s32 $0xFFFFFFFF  }
0xa6: {  	s26 =	simm.s32 $execute0_lowered;
	[smem:$0x3FD2] =	sst s25  }
0xa7: {  	s6 =	sshll.u32 s26, $0x1;
	_ =	strace $0x80000046;
	[dreg:$0x1] =	wrdreg $0xFFFFFFFF  }
0xa8: {  	s28 =	simm.s32 $_size_execute0_lowered;
	s4 =	sadd.s32 s4, s6;
	[dreg:$0x0] =	wrdreg $0x0  }
0xa9: {  	s6 =	sshll.u32 s28, $0x1;
	[dreg:$0x2] =	wrdreg s4  }
0xaa: {  	[dreg:$0x3] =	wrdreg s6  }
0xab: {  	[dreg:$0x4] =	wrdreg $0xC0  }
0xac: {  	_ =	task [dreg:s8], $0x5FFFF  }
0xad: {  	[dreg:$0x1] =	wrdreg $0xFFFFFFFF  }
0xae: {  	[dreg:$0x0] =	wrdreg $0x60  }
0xaf: {  	[dreg:$0x2] =	wrdreg s24  }
0xb0: {  	[dreg:$0x3] =	wrdreg s2  }
0xb1: {  	[dreg:$0x4] =	wrdreg s18  }
0xb2: {  	[dreg:$0x5] =	wrdreg $0x9  }
0xb3: {  	_ =	task.clear_ibuf [dreg:s8], $0x6FFFF;
	_ =	strace $0x90000046  }
0xb4: {  	s29 =	simm.s32 $0x9;
	_ =	strace $0x80000048  }
0xb5: {  	_ =	swait.ge [sflag:s29], $0x1  }
0xb6: {  	[sflag:s29] =	ssyncadd.s32 $0xFFFFFFFF  }
0xb7: {  	_ =	strace $0x90000048  }
0xb8: {  	_ =	sfence  }
0xb9: {  	s30 =	sld [smem:$0x0];
	_ =	sdelay $0x2  }
0xba: {  	s31 =	sshll.u32 s1, $0xD;
	s1 =	sshrl.u32 s1, $0x2  }
0xbb: {  	s3 =	sand.u32 $0x4000, s31;
	s1 =	sadd.s32 s1, s30  }
0xbc: {  	s0 =	sor.u32 s3, s0;
	s1 =	sshll.u32 s1, $0x11  }
0xbd: {  	s0 =	sor.u32 s1, s0  }
0xbe: {  	s0 =	sadd.s32 $0x8F2B, s0  }
0xbf: {  	[sflag:s0] =	ssyncadd.remote.s32 $0x1  }
0xc0: {  	_ =	sfence.sel $0xFFFF  }
0xc1: {  	[dreg:$0x0] =	wrdreg $0xFFFFFFFF;
	(pc) =	sbr.abs _section_cstart, $3  }
0xc2: {  	[dreg:$0x1] =	wrdreg $0xFFFFFFFF  }
0xc3: {  	_ =	task.clear_ibuf [dreg:s8], $0x2FFFF;
	_ =	strace $0x9FFFFFFF  }
0xc4: {  	(tm) =	ssettm $0x7FFFFFFF  }
0xc5: {  	_ =	shalt  }
tec
execute0_lowered:
.L_overlay_start_1:
0x0: {  	(tag) =	ssettag $0x1  }
0x1: {  	s8 =	rddreg [dreg:$0x0]  }
0x2: {  	s3 =	rddreg [dreg:$0x1]  }
0x3: {  	s1 =	srdreg.scid;
	s0 =	stileid.u32  }
0x4: {  	s18 =	rddreg [dreg:$0x2];
	s20 =	sand.u32 $0x1, s1;
	s4 =	sshll.u32 s0, $0x1  }
0x5: {  	s2 =	simm.s32 $0x0;
	s1 =	rddreg [dreg:$0x3];
	s19 =	sor.u32 s20, s4  }
0x6: {  	[smem:$0x7FF] =	sst s2;
	s4 =	sshll.u32 s19, $0x5  }
0x7: {  	_ =	strace $0x80000047;
	s4 =	sadd.s32 s3, s4;
	s3 =	simm.s32 $0x2  }
0x8: {  	[tilespmem:s2], [sflag:$0x2] =	stream.linear.gather [hbm4b:s4+s2], $0x100, $0x38;
	[tilespmem:$0x8400] =	vst v63  }
0x9: {  	_ =	swait.ge [sflag:s3], $0x100  }
0xa: {  	[sflag:s3] =	ssyncset.done $0x0  }
0xb: {  	s6 =	simm.s32 $0x100;
	s5 =	sadd.s32 $0x400, s4;
	[sflag:s3] =	ssyncadd.s32 $0xFFFFFF00  }
0xc: {  	[tilespmem:s6], [sflag:$0x2] =	stream.linear.gather [hbm4b:s5+s2], $0x100, $0x38;
	[tilespmem:$0x8400] =	vst v63  }
0xd: {  	_ =	swait.ge [sflag:s3], $0x100  }
0xe: {  	v0 =	vlaneseq.u32;
	[sflag:s3] =	ssyncset.done $0x0  }
0xf: {  	v0 =	vmul.u32 $0x2, v0;
	[sflag:s3] =	ssyncadd.s32 $0xFFFFFF00  }
0x10: {  	v1 =	vld [tilespmem:$0x0];
	_ =	sdelay $0x3  }
0x11: {  	s7 =	simm.s32 $0x200  }
0x12: {  	[tilespmem:v0+s7+$0x0] =	vst.idx.msk $0xffff, v1  }
0x13: {  	v1 =	vor.u32 $0x1, v0;
	v2 =	vld [tilespmem:$0x100];
	_ =	sdelay $0x4  }
0x14: {  	[tilespmem:v1+s7+$0x0] =	vst.idx.msk $0xffff, v2  }
0x15: {  	v2 =	vor.u32 $0x20, v0;
	v3 =	vld [tilespmem:$0x10];
	_ =	sdelay $0x4  }
0x16: {  	[tilespmem:v2+s7+$0x0] =	vst.idx.msk $0xffff, v3  }
0x17: {  	v3 =	vor.u32 $0x21, v0;
	v4 =	vld [tilespmem:$0x110];
	_ =	sdelay $0x4  }
0x18: {  	[tilespmem:v3+s7+$0x0] =	vst.idx.msk $0xffff, v4  }
0x19: {  	v4 =	vor.u32 $0x40, v0;
	v5 =	vld [tilespmem:$0x20];
	_ =	sdelay $0x4  }
0x1a: {  	[tilespmem:v4+s7+$0x0] =	vst.idx.msk $0xffff, v5  }
0x1b: {  	v5 =	vor.u32 $0x41, v0;
	v6 =	vld [tilespmem:$0x120];
	_ =	sdelay $0x4  }
0x1c: {  	[tilespmem:v5+s7+$0x0] =	vst.idx.msk $0xffff, v6  }
0x1d: {  	v6 =	vor.u32 $0x60, v0;
	v7 =	vld [tilespmem:$0x30];
	_ =	sdelay $0x4  }
0x1e: {  	[tilespmem:v6+s7+$0x0] =	vst.idx.msk $0xffff, v7  }
0x1f: {  	v7 =	vor.u32 $0x61, v0;
	v8 =	vld [tilespmem:$0x130];
	_ =	sdelay $0x4  }
0x20: {  	[tilespmem:v7+s7+$0x0] =	vst.idx.msk $0xffff, v8  }
0x21: {  	v8 =	vor.u32 $0x80, v0;
	v9 =	vld [tilespmem:$0x40];
	_ =	sdelay $0x4  }
0x22: {  	[tilespmem:v8+s7+$0x0] =	vst.idx.msk $0xffff, v9  }
0x23: {  	v9 =	vor.u32 $0x81, v0;
	v10 =	vld [tilespmem:$0x140];
	_ =	sdelay $0x4  }
0x24: {  	[tilespmem:v9+s7+$0x0] =	vst.idx.msk $0xffff, v10  }
0x25: {  	v10 =	vor.u32 $0xA0, v0;
	v11 =	vld [tilespmem:$0x50];
	_ =	sdelay $0x4  }
0x26: {  	[tilespmem:v10+s7+$0x0] =	vst.idx.msk $0xffff, v11  }
0x27: {  	v11 =	vor.u32 $0xA1, v0;
	v12 =	vld [tilespmem:$0x150];
	_ =	sdelay $0x4  }
0x28: {  	[tilespmem:v11+s7+$0x0] =	vst.idx.msk $0xffff, v12  }
0x29: {  	v12 =	vor.u32 $0xC0, v0;
	v13 =	vld [tilespmem:$0x60];
	_ =	sdelay $0x4  }
0x2a: {  	[tilespmem:v12+s7+$0x0] =	vst.idx.msk $0xffff, v13  }
0x2b: {  	v13 =	vor.u32 $0xC1, v0;
	v14 =	vld [tilespmem:$0x160];
	_ =	sdelay $0x4  }
0x2c: {  	[tilespmem:v13+s7+$0x0] =	vst.idx.msk $0xffff, v14  }
0x2d: {  	v14 =	vor.u32 $0xE0, v0;
	v15 =	vld [tilespmem:$0x70];
	_ =	sdelay $0x4  }
0x2e: {  	[tilespmem:v14+s7+$0x0] =	vst.idx.msk $0xffff, v15  }
0x2f: {  	v15 =	vor.u32 $0xE1, v0;
	v16 =	vld [tilespmem:$0x170];
	_ =	sdelay $0x4  }
0x30: {  	[tilespmem:v15+s7+$0x0] =	vst.idx.msk $0xffff, v16  }
0x31: {  	v16 =	vor.u32 $0x100, v0;
	v17 =	vld [tilespmem:$0x80];
	_ =	sdelay $0x4  }
0x32: {  	[tilespmem:v16+s7+$0x0] =	vst.idx.msk $0xffff, v17  }
0x33: {  	v17 =	vor.u32 $0x101, v0;
	v18 =	vld [tilespmem:$0x180];
	_ =	sdelay $0x4  }
0x34: {  	[tilespmem:v17+s7+$0x0] =	vst.idx.msk $0xffff, v18  }
0x35: {  	v18 =	vor.u32 $0x120, v0;
	v19 =	vld [tilespmem:$0x90];
	_ =	sdelay $0x4  }
0x36: {  	[tilespmem:v18+s7+$0x0] =	vst.idx.msk $0xffff, v19  }
0x37: {  	v19 =	vor.u32 $0x121, v0;
	v20 =	vld [tilespmem:$0x190];
	_ =	sdelay $0x4  }
0x38: {  	[tilespmem:v19+s7+$0x0] =	vst.idx.msk $0xffff, v20  }
0x39: {  	v20 =	vor.u32 $0x140, v0;
	v21 =	vld [tilespmem:$0xA0];
	_ =	sdelay $0x4  }
0x3a: {  	[tilespmem:v20+s7+$0x0] =	vst.idx.msk $0xffff, v21  }
0x3b: {  	v21 =	vor.u32 $0x141, v0;
	v22 =	vld [tilespmem:$0x1A0];
	_ =	sdelay $0x4  }
0x3c: {  	[tilespmem:v21+s7+$0x0] =	vst.idx.msk $0xffff, v22  }
0x3d: {  	v22 =	vor.u32 $0x160, v0;
	v23 =	vld [tilespmem:$0xB0];
	_ =	sdelay $0x4  }
0x3e: {  	[tilespmem:v22+s7+$0x0] =	vst.idx.msk $0xffff, v23  }
0x3f: {  	v23 =	vor.u32 $0x161, v0;
	v24 =	vld [tilespmem:$0x1B0];
	_ =	sdelay $0x4  }
0x40: {  	[tilespmem:v23+s7+$0x0] =	vst.idx.msk $0xffff, v24  }
0x41: {  	v24 =	vor.u32 $0x180, v0;
	v25 =	vld [tilespmem:$0xC0];
	_ =	sdelay $0x4  }
0x42: {  	[tilespmem:v24+s7+$0x0] =	vst.idx.msk $0xffff, v25  }
0x43: {  	v25 =	vor.u32 $0x181, v0;
	v26 =	vld [tilespmem:$0x1C0];
	_ =	sdelay $0x4  }
0x44: {  	[tilespmem:v25+s7+$0x0] =	vst.idx.msk $0xffff, v26  }
0x45: {  	v26 =	vor.u32 $0x1A0, v0;
	v27 =	vld [tilespmem:$0xD0];
	_ =	sdelay $0x4  }
0x46: {  	[tilespmem:v26+s7+$0x0] =	vst.idx.msk $0xffff, v27  }
0x47: {  	v27 =	vor.u32 $0x1A1, v0;
	v28 =	vld [tilespmem:$0x1D0];
	_ =	sdelay $0x4  }
0x48: {  	[tilespmem:v27+s7+$0x0] =	vst.idx.msk $0xffff, v28  }
0x49: {  	v28 =	vor.u32 $0x1C0, v0;
	v29 =	vld [tilespmem:$0xE0];
	_ =	sdelay $0x4  }
0x4a: {  	[tilespmem:v28+s7+$0x0] =	vst.idx.msk $0xffff, v29  }
0x4b: {  	v29 =	vor.u32 $0x1C1, v0;
	v30 =	vld [tilespmem:$0x1E0];
	_ =	sdelay $0x4  }
0x4c: {  	[tilespmem:v29+s7+$0x0] =	vst.idx.msk $0xffff, v30  }
0x4d: {  	v30 =	vor.u32 $0x1E0, v0;
	v31 =	vld [tilespmem:$0xF0];
	_ =	sdelay $0x4  }
0x4e: {  	[tilespmem:v30+s7+$0x0] =	vst.idx.msk $0xffff, v31  }
0x4f: {  	v31 =	vor.u32 $0x1E1, v0;
	v32 =	vld [tilespmem:$0x1F0];
	_ =	sdelay $0x4  }
0x50: {  	s9 =	simm.s32 $0x80;
	s10 =	simm.s32 $0x400;
	s8 =	sadd.s32 $0xE00, s8;
	[tilespmem:v31+s7+$0x0] =	vst.idx.msk $0xffff, v32  }
0x51: {  	[tilespmem:s10], [sflag:$0x1] =	stream.indirect.gather [hbm4b:s8+s9], $0x40, s7, s9, $0xb8;
	[tilespmem:$0x8400] =	vst v63  }
0x52: {  	s11 =	simm.s32 $0x280;
	s12 =	simm.s32 $0x2400  }
0x53: {  	[tilespmem:s12], [sflag:$0x1] =	stream.indirect.gather [hbm4b:s8+s9], $0x40, s11, s9, $0xb8;
	[tilespmem:$0x8400] =	vst v63  }
0x54: {  	s13 =	simm.s32 $0x300;
	s14 =	simm.s32 $0x4400  }
0x55: {  	[tilespmem:s14], [sflag:$0x1] =	stream.indirect.gather [hbm4b:s8+s9], $0x40, s13, s9, $0xb8;
	[tilespmem:$0x8400] =	vst v63  }
0x56: {  	s15 =	simm.s32 $0x380;
	s16 =	simm.s32 $0x6400;
	s17 =	simm.s32 $0x1  }
0x57: {  	[tilespmem:s16], [sflag:$0x1] =	stream.indirect.gather [hbm4b:s8+s9], $0x40, s15, s9, $0xb8;
	[tilespmem:$0x8400] =	vst v63  }
0x58: {  	_ =	swait.ge [sflag:s17], $0x2000  }
0x59: {  	[sflag:s17] =	ssyncset.done $0x0  }
0x5a: {  	[sflag:s17] =	ssyncadd.s32 $0xFFFFE000  }
0x5b: {  	_ =	swait.ge [sflag:s17], $0x2000  }
0x5c: {  	[sflag:s17] =	ssyncset.done $0x0  }
0x5d: {  	s20 =	ssub.s32 $0x2, s20;
	[sflag:s17] =	ssyncadd.s32 $0xFFFFE000  }
0x5e: {  	s21 =	sshrl.u32 s20, $0x1;
	_ =	swait.ge [sflag:s17], $0x2000  }
0x5f: {  	s20 =	ssub.s32 s20, s21;
	[sflag:s17] =	ssyncset.done $0x0  }
0x60: {  	s31 =	smax.u32 s20, $0x1;
	[sflag:s17] =	ssyncadd.s32 $0xFFFFE000  }
0x61: {  	p0 =	sne.s32 s31, $0x1;
	_ =	swait.ge [sflag:s17], $0x2000  }
.Ltmp0:
0x62: {  	s19 =	sshll.u32 s19, $0xC;
	[sflag:s17] =	ssyncset.done $0x0;
	(pc) =	sbr.rel @!p0 .LBB2_2-.Ltmp0, $4  }
0x63: {  	s18 =	sadd.s32 s18, s19;
	[sflag:s17] =	ssyncadd.s32 $0xFFFFE000  }
0x64: {  	[hbm4b:s18+s2] =	stream.linear.scatter [tilespmem:s10], [sflag:$0x2], $0x8000, $0x38;
	[tilespmem:$0x8400] =	vst v63  }
0x65: {  	_ =	swait.ge [sflag:s3], $0x8000  }
0x66: {  	s19 =	sadd.s32 $0xFFFFFFFF, s31;
	[sflag:s3] =	ssyncset.done $0x0  }
.LBB2_1:
0x67: {  	p0 =	sne.s32 s19, $0x1;
	s19 =	sadd.s32 $0xFFFFFFFF, s19;
	[sflag:s3] =	ssyncadd.s32 $0xFFFF8000  }
0x68: {  	[tilespmem:s2], [sflag:$0x2] =	stream.linear.gather [hbm4b:s4+s2], $0x100, $0x38;
	[tilespmem:$0x8400] =	vst v63  }
0x69: {  	_ =	swait.ge [sflag:s3], $0x100  }
0x6a: {  	[sflag:s3] =	ssyncset.done $0x0  }
0x6b: {  	[sflag:s3] =	ssyncadd.s32 $0xFFFFFF00  }
0x6c: {  	[tilespmem:s6], [sflag:$0x2] =	stream.linear.gather [hbm4b:s5+s2], $0x100, $0x38;
	[tilespmem:$0x8400] =	vst v63  }
0x6d: {  	_ =	swait.ge [sflag:s3], $0x100  }
0x6e: {  	[sflag:s3] =	ssyncset.done $0x0  }
0x6f: {  	[sflag:s3] =	ssyncadd.s32 $0xFFFFFF00  }
0x70: {  	v32 =	vld [tilespmem:$0x0];
	_ =	sdelay $0x4  }
0x71: {  	[tilespmem:v0+s7+$0x0] =	vst.idx.msk $0xffff, v32  }
0x72: {  	v32 =	vld [tilespmem:$0x100];
	_ =	sdelay $0x4  }
0x73: {  	[tilespmem:v1+s7+$0x0] =	vst.idx.msk $0xffff, v32  }
0x74: {  	v32 =	vld [tilespmem:$0x10];
	_ =	sdelay $0x4  }
0x75: {  	[tilespmem:v2+s7+$0x0] =	vst.idx.msk $0xffff, v32  }
0x76: {  	v32 =	vld [tilespmem:$0x110];
	_ =	sdelay $0x4  }
0x77: {  	[tilespmem:v3+s7+$0x0] =	vst.idx.msk $0xffff, v32  }
0x78: {  	v32 =	vld [tilespmem:$0x20];
	_ =	sdelay $0x4  }
0x79: {  	[tilespmem:v4+s7+$0x0] =	vst.idx.msk $0xffff, v32  }
0x7a: {  	v32 =	vld [tilespmem:$0x120];
	_ =	sdelay $0x4  }
0x7b: {  	[tilespmem:v5+s7+$0x0] =	vst.idx.msk $0xffff, v32  }
0x7c: {  	v32 =	vld [tilespmem:$0x30];
	_ =	sdelay $0x4  }
0x7d: {  	[tilespmem:v6+s7+$0x0] =	vst.idx.msk $0xffff, v32  }
0x7e: {  	v32 =	vld [tilespmem:$0x130];
	_ =	sdelay $0x4  }
0x7f: {  	[tilespmem:v7+s7+$0x0] =	vst.idx.msk $0xffff, v32  }
0x80: {  	v32 =	vld [tilespmem:$0x40];
	_ =	sdelay $0x4  }
0x81: {  	[tilespmem:v8+s7+$0x0] =	vst.idx.msk $0xffff, v32  }
0x82: {  	v32 =	vld [tilespmem:$0x140];
	_ =	sdelay $0x4  }
0x83: {  	[tilespmem:v9+s7+$0x0] =	vst.idx.msk $0xffff, v32  }
0x84: {  	v32 =	vld [tilespmem:$0x50];
	_ =	sdelay $0x4  }
0x85: {  	[tilespmem:v10+s7+$0x0] =	vst.idx.msk $0xffff, v32  }
0x86: {  	v32 =	vld [tilespmem:$0x150];
	_ =	sdelay $0x4  }
0x87: {  	[tilespmem:v11+s7+$0x0] =	vst.idx.msk $0xffff, v32  }
0x88: {  	v32 =	vld [tilespmem:$0x60];
	_ =	sdelay $0x4  }
0x89: {  	[tilespmem:v12+s7+$0x0] =	vst.idx.msk $0xffff, v32  }
0x8a: {  	v32 =	vld [tilespmem:$0x160];
	_ =	sdelay $0x4  }
0x8b: {  	[tilespmem:v13+s7+$0x0] =	vst.idx.msk $0xffff, v32  }
0x8c: {  	v32 =	vld [tilespmem:$0x70];
	_ =	sdelay $0x4  }
0x8d: {  	[tilespmem:v14+s7+$0x0] =	vst.idx.msk $0xffff, v32  }
0x8e: {  	v32 =	vld [tilespmem:$0x170];
	_ =	sdelay $0x4  }
0x8f: {  	[tilespmem:v15+s7+$0x0] =	vst.idx.msk $0xffff, v32  }
0x90: {  	v32 =	vld [tilespmem:$0x80];
	_ =	sdelay $0x4  }
0x91: {  	[tilespmem:v16+s7+$0x0] =	vst.idx.msk $0xffff, v32  }
0x92: {  	v32 =	vld [tilespmem:$0x180];
	_ =	sdelay $0x4  }
0x93: {  	[tilespmem:v17+s7+$0x0] =	vst.idx.msk $0xffff, v32  }
0x94: {  	v32 =	vld [tilespmem:$0x90];
	_ =	sdelay $0x4  }
0x95: {  	[tilespmem:v18+s7+$0x0] =	vst.idx.msk $0xffff, v32  }
0x96: {  	v32 =	vld [tilespmem:$0x190];
	_ =	sdelay $0x4  }
0x97: {  	[tilespmem:v19+s7+$0x0] =	vst.idx.msk $0xffff, v32  }
0x98: {  	v32 =	vld [tilespmem:$0xA0];
	_ =	sdelay $0x4  }
0x99: {  	[tilespmem:v20+s7+$0x0] =	vst.idx.msk $0xffff, v32  }
0x9a: {  	v32 =	vld [tilespmem:$0x1A0];
	_ =	sdelay $0x4  }
0x9b: {  	[tilespmem:v21+s7+$0x0] =	vst.idx.msk $0xffff, v32  }
0x9c: {  	v32 =	vld [tilespmem:$0xB0];
	_ =	sdelay $0x4  }
0x9d: {  	[tilespmem:v22+s7+$0x0] =	vst.idx.msk $0xffff, v32  }
0x9e: {  	v32 =	vld [tilespmem:$0x1B0];
	_ =	sdelay $0x4  }
0x9f: {  	[tilespmem:v23+s7+$0x0] =	vst.idx.msk $0xffff, v32  }
0xa0: {  	v32 =	vld [tilespmem:$0xC0];
	_ =	sdelay $0x4  }
0xa1: {  	[tilespmem:v24+s7+$0x0] =	vst.idx.msk $0xffff, v32  }
0xa2: {  	v32 =	vld [tilespmem:$0x1C0];
	_ =	sdelay $0x4  }
0xa3: {  	[tilespmem:v25+s7+$0x0] =	vst.idx.msk $0xffff, v32  }
0xa4: {  	v32 =	vld [tilespmem:$0xD0];
	_ =	sdelay $0x4  }
0xa5: {  	[tilespmem:v26+s7+$0x0] =	vst.idx.msk $0xffff, v32  }
0xa6: {  	v32 =	vld [tilespmem:$0x1D0];
	_ =	sdelay $0x4  }
0xa7: {  	[tilespmem:v27+s7+$0x0] =	vst.idx.msk $0xffff, v32  }
0xa8: {  	v32 =	vld [tilespmem:$0xE0];
	_ =	sdelay $0x4  }
0xa9: {  	[tilespmem:v28+s7+$0x0] =	vst.idx.msk $0xffff, v32  }
0xaa: {  	v32 =	vld [tilespmem:$0x1E0];
	_ =	sdelay $0x4  }
0xab: {  	[tilespmem:v29+s7+$0x0] =	vst.idx.msk $0xffff, v32  }
0xac: {  	v32 =	vld [tilespmem:$0xF0];
	_ =	sdelay $0x4  }
0xad: {  	[tilespmem:v30+s7+$0x0] =	vst.idx.msk $0xffff, v32  }
0xae: {  	v32 =	vld [tilespmem:$0x1F0];
	_ =	sdelay $0x4  }
0xaf: {  	[tilespmem:v31+s7+$0x0] =	vst.idx.msk $0xffff, v32  }
0xb0: {  	[tilespmem:s10], [sflag:$0x1] =	stream.indirect.gather [hbm4b:s8+s9], $0x40, s7, s9, $0xb8;
	[tilespmem:$0x8400] =	vst v63  }
0xb1: {  	_ = 	snop  }
0xb2: {  	[tilespmem:s12], [sflag:$0x1] =	stream.indirect.gather [hbm4b:s8+s9], $0x40, s11, s9, $0xb8;
	[tilespmem:$0x8400] =	vst v63  }
0xb3: {  	_ = 	snop  }
0xb4: {  	[tilespmem:s14], [sflag:$0x1] =	stream.indirect.gather [hbm4b:s8+s9], $0x40, s13, s9, $0xb8;
	[tilespmem:$0x8400] =	vst v63  }
0xb5: {  	_ = 	snop  }
0xb6: {  	[tilespmem:s16], [sflag:$0x1] =	stream.indirect.gather [hbm4b:s8+s9], $0x40, s15, s9, $0xb8;
	[tilespmem:$0x8400] =	vst v63  }
0xb7: {  	_ =	swait.ge [sflag:s17], $0x2000  }
0xb8: {  	[sflag:s17] =	ssyncset.done $0x0  }
0xb9: {  	[sflag:s17] =	ssyncadd.s32 $0xFFFFE000  }
0xba: {  	_ =	swait.ge [sflag:s17], $0x2000  }
0xbb: {  	[sflag:s17] =	ssyncset.done $0x0  }
0xbc: {  	[sflag:s17] =	ssyncadd.s32 $0xFFFFE000  }
0xbd: {  	_ =	swait.ge [sflag:s17], $0x2000  }
0xbe: {  	[sflag:s17] =	ssyncset.done $0x0  }
0xbf: {  	[sflag:s17] =	ssyncadd.s32 $0xFFFFE000  }
0xc0: {  	_ =	swait.ge [sflag:s17], $0x2000  }
.Ltmp1:
0xc1: {  	[sflag:s17] =	ssyncset.done $0x0;
	(pc) =	sbr.rel @p0 .LBB2_1-.Ltmp1, $4  }
0xc2: {  	[sflag:s17] =	ssyncadd.s32 $0xFFFFE000  }
0xc3: {  	[hbm4b:s18+s2] =	stream.linear.scatter [tilespmem:s10], [sflag:$0x2], $0x8000, $0x38;
	[tilespmem:$0x8400] =	vst v63  }
0xc4: {  	_ =	swait.ge [sflag:s3], $0x8000  }
0xc5: {  	[sflag:s3] =	ssyncset.done $0x0  }
.LBB2_2:
0xc6: {  	[sflag:s3] =	ssyncadd.s32 $0xFFFF8000  }
0xc7: {  	_ =	sfence.sel $0x180000  }
0xc8: {  	[bflag:$0x0] =	sbarrier.arrive $0xFFFF  }
0xc9: {  	p0 =	sne.s32 s0, $0x0;
	_ =	strace $0x90000047  }
0xca: {  	s0 =	sadd.s32 @!p0 $0x100000, s1;
	[bflag:$0x2] =	sbarrier.arrive $0xFFFF  }
0xcb: {  	[sflag:s0] =	ssyncadd.tile.s32 @!p0 $0x1;
	_ =	shalt  }
.Lfunc_end2:
_tile_overlayer_lowered:
.L_overlay_start_2:
0xcc: {  	(tag) =	ssettag $0x2  }
0xcd: {  	s0 =	rddreg [dreg:$0x0];
	s2 =	stileid.u32  }
0xce: {  	s1 =	rddreg [dreg:$0x1];
	p0 =	sne.s32 s2, $0x0  }
0xcf: {  	s3 =	rddreg [dreg:$0x2];
	[bflag:$0x3] =	sbarrier.arrive $0xFFFF;
	s2 =	simm.s32 @!p0 $0x1C02  }
0xd0: {  	[timem:s3], [sflag:s2] =	dma.local @!p0 [hbm:s0], s1  }
0xd1: {  	s0 =	simm.s32 @!p0 $0x2  }
0xd2: {  	_ =	swait.ge @!p0 [sflag:s0], s1  }
0xd3: {  	s1 =	ssub.s32 @!p0 $0x0, s1;
	[sflag:s0] =	ssyncset.done @!p0 $0x0  }
0xd4: {  	[sflag:s0] =	ssyncadd.s32 @!p0 s1  }
0xd5: {  	[bflag:$0x3] =	sbarrier.arrive $0xFFFF  }
0xd6: {  	_ =	shalt  }

</sc_bundles>
